<compile_context>
chip_gen: v7x
topology: tpu7x:2x2x1
jax: 0.10.2.dev20260603
libtpu: 0.0.44.dev20260713+nightly
codegen_flags: <defaults>
</compile_context>

<pallas_src>
import functools

import jax
import jax.numpy as jnp
from jax import lax
from jax.experimental import pallas as pl
from jax.experimental.pallas import tpu as pltpu
from jax.experimental.pallas import tpu_sc as plsc

N_REL = 64
ED = 64
RD = 64
B = 4096
L2_LAMBDA = 1e-05

G = 8
GE = G * ED

NW = 32
NG = 3 * B
GPW = NG // NW
GC = 128

BB = 2048
NB = B // BB

PACKED = 51200
DP = 6400


def _depad_body(x_ref, o_ref):
    x = jnp.transpose(x_ref[...], (1, 0))
    o_ref[...] = jnp.concatenate([x[:DP, :], x[DP:, :]], axis=1)


def _depad(entity_t):
    return pl.pallas_call(
        _depad_body,
        grid=(PACKED // DP,),
        in_specs=[pl.BlockSpec((ED, 2 * DP), lambda i: (0, i))],
        out_specs=pl.BlockSpec((DP, 2 * ED), lambda i: (i, 0)),
        out_shape=jax.ShapeDtypeStruct((PACKED, 2 * ED), jnp.float32),
    )(entity_t)


def _sc_gather(ent_pairs, idx_packed):
    mesh = plsc.VectorSubcoreMesh(core_axis_name="c", subcore_axis_name="s")

    @functools.partial(
        pl.kernel,
        out_type=jax.ShapeDtypeStruct((NG, 2 * ED), jnp.float32),
        mesh=mesh,
        scratch_types=[
            pltpu.VMEM((GPW,), jnp.int32),
            pltpu.VMEM((GC, 2 * ED), jnp.float32),
            pltpu.SemaphoreType.DMA,
        ],
        compiler_params=pltpu.CompilerParams(use_tc_tiling_on_sc=True),
    )
    def gather_k(ent_hbm, idx_hbm, out_hbm, idx_v, rows_v, sem):
        wid = lax.axis_index("s") * 2 + lax.axis_index("c")
        base = wid * GPW
        pltpu.sync_copy(idx_hbm.at[pl.ds(base, GPW)], idx_v)
        for c in range(GPW // GC):
            pltpu.async_copy(ent_hbm.at[idx_v.at[pl.ds(c * GC, GC)]],
                             rows_v, sem).wait()
            pltpu.sync_copy(rows_v, out_hbm.at[pl.ds(base + c * GC, GC)])

    return gather_k(ent_pairs, idx_packed)


def _tc_body(h_ref, p_ref, n_ref, hp_ref, pp_ref, np_ref, rel_ref, r_ref,
             wg_ref, out_ref, acc_ref):
    @pl.when(pl.program_id(0) == 0)
    def _init():
        acc_ref[0] = 0.0
        acc_ref[1] = 0.0

    wg = wg_ref[...]
    rcol = jnp.transpose(r_ref[0], (1, 0))
    r1 = rcol // G
    r0 = rcol % G
    lane_g = lax.broadcasted_iota(jnp.int32, (1, GE), 1) // ED
    mask1 = lane_g == r1
    mask0 = lane_g == r0
    zero16 = jnp.zeros((), jnp.bfloat16)
    f0 = (lax.broadcasted_iota(jnp.int32, (GE, RD), 0) % ED
          == lax.broadcasted_iota(jnp.int32, (GE, RD), 1)).astype(jnp.float32)

    def proj(pair_ref, par_ref):
        pair = pair_ref[...]
        par = jnp.transpose(par_ref[0], (1, 0))
        x = jnp.where(par == 1, pair[:, ED:2 * ED], pair[:, 0:ED])
        xt = jnp.tile(x.astype(jnp.bfloat16), (1, G))
        x1 = jnp.where(mask1, xt, zero16)
        y = lax.dot_general(x1, wg, (((1,), (0,)), ((), ())),
                            preferred_element_type=jnp.float32)
        ys = jnp.where(mask0, y, 0.0)
        return lax.dot_general(ys, f0, (((1,), (0,)), ((), ())),
                               preferred_element_type=jnp.float32)

    rh = proj(h_ref, hp_ref)
    rp = proj(p_ref, pp_ref)
    rn = proj(n_ref, np_ref)

    lane_r = lax.broadcasted_iota(jnp.int32, (1, N_REL), 1)
    oh = (lane_r == rcol).astype(jnp.float32)
    re = lax.dot_general(oh, rel_ref[...], (((1,), (0,)), ((), ())),
                         preferred_element_type=jnp.float32)

    anchor = rh + re
    pos_s = jnp.sum(jnp.square(anchor - rp), axis=1, keepdims=True)
    neg_s = jnp.sum(jnp.square(anchor - rn), axis=1, keepdims=True)
    d = neg_s - pos_s
    trip = jnp.maximum(-d, 0.0) + jnp.log(1.0 + jnp.exp(-jnp.abs(d)))
    l2 = 0.5 * (jnp.sum(jnp.square(rh)) + jnp.sum(jnp.square(re))
                + jnp.sum(jnp.square(rp)) + jnp.sum(jnp.square(rn)))

    acc_ref[0] += jnp.sum(trip)
    acc_ref[1] += l2

    @pl.when(pl.program_id(0) == NB - 1)
    def _fin():
        loss = acc_ref[0] / B + L2_LAMBDA * (acc_ref[1] / B)
        out_ref[...] = jnp.full((1, 1), loss, dtype=jnp.float32)


def _tc_loss(ent_pairs_rows, parity, relation_embed, r_rows, wg_16):
    ent_spec = lambda a: pl.BlockSpec((BB, 2 * ED), lambda i, a=a: (i + a * NB, 0))
    par_spec = lambda a: pl.BlockSpec((1, 1, BB), lambda i, a=a: (a * NB + i, 0, 0))
    return pl.pallas_call(
        _tc_body,
        grid=(NB,),
        in_specs=[
            ent_spec(0), ent_spec(1), ent_spec(2),
            par_spec(0), par_spec(1), par_spec(2),
            pl.BlockSpec((N_REL, RD), lambda i: (0, 0)),
            pl.BlockSpec((1, 1, BB), lambda i: (i, 0, 0)),
            pl.BlockSpec((GE, GE), lambda i: (0, 0)),
        ],
        out_specs=pl.BlockSpec((1, 1), lambda i: (0, 0)),
        out_shape=jax.ShapeDtypeStruct((1, 1), jnp.float32),
        scratch_shapes=[pltpu.SMEM((2,), jnp.float32)],
        compiler_params=pltpu.CompilerParams(
            dimension_semantics=("arbitrary",)),
    )(ent_pairs_rows, ent_pairs_rows, ent_pairs_rows,
      parity, parity, parity, relation_embed, r_rows, wg_16)


def _pack_index(idx):
    step = idx // (2 * DP)
    rin = idx % (2 * DP)
    par = (rin >= DP).astype(jnp.int32)
    packed = step * DP + rin - par * DP
    return packed, par


def kernel(h, r, pos_t, neg_t, entity_embed, relation_embed, trans_M):
    h = h.astype(jnp.int32)
    r = r.astype(jnp.int32)
    pos_t = pos_t.astype(jnp.int32)
    neg_t = neg_t.astype(jnp.int32)
    idx_all = jnp.concatenate([h, pos_t, neg_t])
    ent_pairs = _depad(entity_embed.T)
    idx_packed, par = _pack_index(idx_all)
    rows = _sc_gather(ent_pairs, idx_packed)
    parity = par.reshape(3 * NB, 1, BB)
    wg_16 = (trans_M.reshape(G, G, ED, RD).transpose(0, 2, 1, 3)
             .reshape(GE, GE).astype(jnp.bfloat16))
    out = _tc_loss(rows, parity, relation_embed,
                   r.reshape(NB, 1, BB), wg_16)
    return out[0, 0]

# --- scband reference (transcript-rebuilt; emitter-appended) ---
"""Pipeline reference for scband-trans-r-1434519077175 (READ-ONLY COPY).

The authoritative reference and input builder live on the scoring server;
editing this copy changes nothing except your own understanding.
"""

import jax, jax.numpy as jnp
import numpy as np

N_ENTITIES = 100000
N_RELATIONS = 64
EMBED_DIM = 64
RELATION_DIM = 64
KG_BATCH = 4096
KG_L2_LAMBDA = 1e-05


def setup_inputs(seed: int = 0) -> dict:
    key = jax.random.key(seed)
    k1, k2, k3, k4, k5, k6, k7 = jax.random.split(key, 7)
    h = jax.random.randint(k1, (KG_BATCH,), 0, N_ENTITIES)
    r = jax.random.randint(k2, (KG_BATCH,), 0, N_RELATIONS)
    pos_t = jax.random.randint(k3, (KG_BATCH,), 0, N_ENTITIES)
    neg_t = jax.random.randint(k4, (KG_BATCH,), 0, N_ENTITIES)
    # learned parameters (xavier-ish small init)
    entity_embed = jax.random.normal(k5, (N_ENTITIES, EMBED_DIM), dtype=jnp.float32) * 0.05
    relation_embed = jax.random.normal(k6, (N_RELATIONS, RELATION_DIM), dtype=jnp.float32) * 0.05
    trans_M = jax.random.normal(k7, (N_RELATIONS, EMBED_DIM, RELATION_DIM), dtype=jnp.float32) * 0.05
    return {"h": h, "r": r, "pos_t": pos_t, "neg_t": neg_t,
            "entity_embed": entity_embed, "relation_embed": relation_embed, "trans_M": trans_M}


def _l2_loss_mean(x):
    return jnp.mean(jnp.sum(x * x, axis=1) / 2.0)


def reference(h, r, pos_t, neg_t, entity_embed, relation_embed, trans_M):
    r_embed = jnp.take(relation_embed, r, axis=0)            # (B, Rd)
    W_r = jnp.take(trans_M, r, axis=0)                        # (B, Ed, Rd)
    head_embed = jnp.take(entity_embed, h, axis=0)            # (B, Ed)
    tail_pos_embed = jnp.take(entity_embed, pos_t, axis=0)    # (B, Ed)
    tail_neg_embed = jnp.take(entity_embed, neg_t, axis=0)    # (B, Ed)
    r_mul_h = jnp.squeeze(jnp.matmul(head_embed[:, None, :], W_r), axis=1)
    r_mul_pos_t = jnp.squeeze(jnp.matmul(tail_pos_embed[:, None, :], W_r), axis=1)
    r_mul_neg_t = jnp.squeeze(jnp.matmul(tail_neg_embed[:, None, :], W_r), axis=1)
    pos_score = jnp.sum(jnp.square(r_mul_h + r_embed - r_mul_pos_t), axis=1)
    neg_score = jnp.sum(jnp.square(r_mul_h + r_embed - r_mul_neg_t), axis=1)
    triplet_loss = jnp.mean(-1.0 * jax.nn.log_sigmoid(neg_score - pos_score))
    l2_loss = (_l2_loss_mean(r_mul_h) + _l2_loss_mean(r_embed)
               + _l2_loss_mean(r_mul_pos_t) + _l2_loss_mean(r_mul_neg_t))
    loss = triplet_loss + KG_L2_LAMBDA * l2_loss
    return loss

if __name__ == "__main__":
    import jax
    _d = setup_inputs()
    print(jax.jit(kernel)(*tuple(_d.values())))

</pallas_src>

<mosaic_0001>
#map = affine_map<(d0, d1) -> (0, 0)>
#map1 = affine_map<(d0, d1) -> (0)>
module attributes {stable_mosaic.version = 14 : i64} {
  func.func @gather_k(%arg0: i32, %arg1: i32, %arg2: memref<51200x128xf32, #tpu.memory_space<hbm>>, %arg3: memref<12288xi32, #tpu.memory_space<hbm>>, %arg4: memref<12288x128xf32, #tpu.memory_space<hbm>>, %arg5: memref<384xi32, #tpu.memory_space<vmem>>, %arg6: memref<128x128xf32, #tpu.memory_space<vmem>>, %arg7: memref<!tpu.dma_semaphore, #tpu.memory_space<semaphore_mem>>) attributes {dimension_semantics = [#tpu.dimension_semantics<core_parallel>, #tpu.dimension_semantics<subcore_parallel>], iteration_bounds = array<i64: 2, 16>, scalar_prefetch = 0 : i64, scratch_operands = 3 : i64, tpu.core_type = #tpu.core_type<sc_vector_subcore>, window_params = [{transform_indices = #map}, {transform_indices = #map1}, {transform_indices = #map}]} {
    %mul3A = arith.constant 2 : i32
    %mul3A_0 = arith.muli %arg1, %mul3A : i32
    %add3A = arith.addi %mul3A_0, %arg0 : i32
    %mul3A_1 = arith.constant 384 : i32
    %mul3A_2 = arith.muli %add3A, %mul3A_1 : i32
    "tpu.region"() ({
      %run_scoped3A = tpu.sem_alloc : memref<!tpu.dma_semaphore, #tpu.memory_space<semaphore_mem>>
      %dma_start3A_37 = tpu.memref_slice %arg3[%mul3A_2] : memref<12288xi32, #tpu.memory_space<hbm>> -> memref<384xi32, #tpu.memory_space<hbm>>
      %dma_start3A_38 = tpu.memref_slice %arg3[%mul3A_2] : memref<12288xi32, #tpu.memory_space<hbm>> -> memref<384xi32, #tpu.memory_space<hbm>>
      tpu.enqueue_dma source(%dma_start3A_38 : memref<384xi32, #tpu.memory_space<hbm>>) target(%arg5 : memref<384xi32, #tpu.memory_space<vmem>>) target_semaphore(%run_scoped3A : memref<!tpu.dma_semaphore, #tpu.memory_space<semaphore_mem>>)
      %dma_wait3A_39 = tpu.memref_slice %arg3[%mul3A_2] : memref<12288xi32, #tpu.memory_space<hbm>> -> memref<384xi32, #tpu.memory_space<hbm>>
      %dma_wait3A_40 = tpu.memref_slice %arg3[%mul3A_2] : memref<12288xi32, #tpu.memory_space<hbm>> -> memref<384xi32, #tpu.memory_space<hbm>>
      tpu.wait_dma2 semaphore(%run_scoped3A : memref<!tpu.dma_semaphore, #tpu.memory_space<semaphore_mem>>) src(%dma_wait3A_40 : memref<384xi32, #tpu.memory_space<hbm>>) dst(%arg5 : memref<384xi32, #tpu.memory_space<vmem>>)
      tpu.yield
    }) : () -> ()
    %dma_start3A = arith.constant 0 : i32
    %dma_start3A_3 = tpu.memref_slice %arg5[%dma_start3A] : memref<384xi32, #tpu.memory_space<vmem>> -> memref<128xi32, #tpu.memory_space<vmem>>
    %dma_start3A_4 = arith.constant 0 : i32
    %dma_start3A_5 = arith.constant 0 : i32
    %dma_start3A_6 = tpu.memref_slice %arg2[%dma_start3A_4, %dma_start3A_5] : memref<51200x128xf32, #tpu.memory_space<hbm>> -> memref<51200x128xf32, #tpu.memory_space<hbm>>
    tpu.enqueue_indirect_dma source(%dma_start3A_6 : memref<51200x128xf32, #tpu.memory_space<hbm>>) target(%arg6 : memref<128x128xf32, #tpu.memory_space<vmem>>) offsets(%dma_start3A_3 : memref<128xi32, #tpu.memory_space<vmem>>) semaphore(%arg7 : memref<!tpu.dma_semaphore, #tpu.memory_space<semaphore_mem>>)
    %dma_wait3A = arith.constant 0 : i32
    %dma_wait3A_7 = tpu.memref_slice %arg5[%dma_wait3A] : memref<384xi32, #tpu.memory_space<vmem>> -> memref<128xi32, #tpu.memory_space<vmem>>
    %dma_wait3A_8 = arith.constant 0 : i32
    %dma_wait3A_9 = arith.constant 0 : i32
    %dma_wait3A_10 = tpu.memref_slice %arg2[%dma_wait3A_8, %dma_wait3A_9] : memref<51200x128xf32, #tpu.memory_space<hbm>> -> memref<51200x128xf32, #tpu.memory_space<hbm>>
    tpu.wait_indirect_dma semaphore(%arg7 : memref<!tpu.dma_semaphore, #tpu.memory_space<semaphore_mem>>) src(%dma_wait3A_10 : memref<51200x128xf32, #tpu.memory_space<hbm>>) dst(%arg6 : memref<128x128xf32, #tpu.memory_space<vmem>>)
    %add3A_11 = arith.constant 0 : i32
    %add3A_12 = arith.addi %mul3A_2, %add3A_11 : i32
    "tpu.region"() ({
      %run_scoped3A = tpu.sem_alloc : memref<!tpu.dma_semaphore, #tpu.memory_space<semaphore_mem>>
      %dma_start3A_37 = arith.constant 0 : i32
      %dma_start3A_38 = tpu.memref_slice %arg4[%add3A_12, %dma_start3A_37] : memref<12288x128xf32, #tpu.memory_space<hbm>> -> memref<128x128xf32, #tpu.memory_space<hbm>>
      %dma_start3A_39 = arith.constant 0 : i32
      %dma_start3A_40 = tpu.memref_slice %arg4[%add3A_12, %dma_start3A_39] : memref<12288x128xf32, #tpu.memory_space<hbm>> -> memref<128x128xf32, #tpu.memory_space<hbm>>
      tpu.enqueue_dma source(%arg6 : memref<128x128xf32, #tpu.memory_space<vmem>>) target(%dma_start3A_40 : memref<128x128xf32, #tpu.memory_space<hbm>>) target_semaphore(%run_scoped3A : memref<!tpu.dma_semaphore, #tpu.memory_space<semaphore_mem>>)
      %dma_wait3A_41 = arith.constant 0 : i32
      %dma_wait3A_42 = tpu.memref_slice %arg4[%add3A_12, %dma_wait3A_41] : memref<12288x128xf32, #tpu.memory_space<hbm>> -> memref<128x128xf32, #tpu.memory_space<hbm>>
      %dma_wait3A_43 = arith.constant 0 : i32
      %dma_wait3A_44 = tpu.memref_slice %arg4[%add3A_12, %dma_wait3A_43] : memref<12288x128xf32, #tpu.memory_space<hbm>> -> memref<128x128xf32, #tpu.memory_space<hbm>>
      tpu.wait_dma2 semaphore(%run_scoped3A : memref<!tpu.dma_semaphore, #tpu.memory_space<semaphore_mem>>) src(%arg6 : memref<128x128xf32, #tpu.memory_space<vmem>>) dst(%dma_wait3A_44 : memref<128x128xf32, #tpu.memory_space<hbm>>)
      tpu.yield
    }) : () -> ()
    %dma_start3A_13 = arith.constant 128 : i32
    %dma_start3A_14 = tpu.memref_slice %arg5[%dma_start3A_13] : memref<384xi32, #tpu.memory_space<vmem>> -> memref<128xi32, #tpu.memory_space<vmem>>
    %dma_start3A_15 = arith.constant 0 : i32
    %dma_start3A_16 = arith.constant 0 : i32
    %dma_start3A_17 = tpu.memref_slice %arg2[%dma_start3A_15, %dma_start3A_16] : memref<51200x128xf32, #tpu.memory_space<hbm>> -> memref<51200x128xf32, #tpu.memory_space<hbm>>
    tpu.enqueue_indirect_dma source(%dma_start3A_17 : memref<51200x128xf32, #tpu.memory_space<hbm>>) target(%arg6 : memref<128x128xf32, #tpu.memory_space<vmem>>) offsets(%dma_start3A_14 : memref<128xi32, #tpu.memory_space<vmem>>) semaphore(%arg7 : memref<!tpu.dma_semaphore, #tpu.memory_space<semaphore_mem>>)
    %dma_wait3A_18 = arith.constant 128 : i32
    %dma_wait3A_19 = tpu.memref_slice %arg5[%dma_wait3A_18] : memref<384xi32, #tpu.memory_space<vmem>> -> memref<128xi32, #tpu.memory_space<vmem>>
    %dma_wait3A_20 = arith.constant 0 : i32
    %dma_wait3A_21 = arith.constant 0 : i32
    %dma_wait3A_22 = tpu.memref_slice %arg2[%dma_wait3A_20, %dma_wait3A_21] : memref<51200x128xf32, #tpu.memory_space<hbm>> -> memref<51200x128xf32, #tpu.memory_space<hbm>>
    tpu.wait_indirect_dma semaphore(%arg7 : memref<!tpu.dma_semaphore, #tpu.memory_space<semaphore_mem>>) src(%dma_wait3A_22 : memref<51200x128xf32, #tpu.memory_space<hbm>>) dst(%arg6 : memref<128x128xf32, #tpu.memory_space<vmem>>)
    %add3A_23 = arith.constant 128 : i32
    %add3A_24 = arith.addi %mul3A_2, %add3A_23 : i32
    "tpu.region"() ({
      %run_scoped3A = tpu.sem_alloc : memref<!tpu.dma_semaphore, #tpu.memory_space<semaphore_mem>>
      %dma_start3A_37 = arith.constant 0 : i32
      %dma_start3A_38 = tpu.memref_slice %arg4[%add3A_24, %dma_start3A_37] : memref<12288x128xf32, #tpu.memory_space<hbm>> -> memref<128x128xf32, #tpu.memory_space<hbm>>
      %dma_start3A_39 = arith.constant 0 : i32
      %dma_start3A_40 = tpu.memref_slice %arg4[%add3A_24, %dma_start3A_39] : memref<12288x128xf32, #tpu.memory_space<hbm>> -> memref<128x128xf32, #tpu.memory_space<hbm>>
      tpu.enqueue_dma source(%arg6 : memref<128x128xf32, #tpu.memory_space<vmem>>) target(%dma_start3A_40 : memref<128x128xf32, #tpu.memory_space<hbm>>) target_semaphore(%run_scoped3A : memref<!tpu.dma_semaphore, #tpu.memory_space<semaphore_mem>>)
      %dma_wait3A_41 = arith.constant 0 : i32
      %dma_wait3A_42 = tpu.memref_slice %arg4[%add3A_24, %dma_wait3A_41] : memref<12288x128xf32, #tpu.memory_space<hbm>> -> memref<128x128xf32, #tpu.memory_space<hbm>>
      %dma_wait3A_43 = arith.constant 0 : i32
      %dma_wait3A_44 = tpu.memref_slice %arg4[%add3A_24, %dma_wait3A_43] : memref<12288x128xf32, #tpu.memory_space<hbm>> -> memref<128x128xf32, #tpu.memory_space<hbm>>
      tpu.wait_dma2 semaphore(%run_scoped3A : memref<!tpu.dma_semaphore, #tpu.memory_space<semaphore_mem>>) src(%arg6 : memref<128x128xf32, #tpu.memory_space<vmem>>) dst(%dma_wait3A_44 : memref<128x128xf32, #tpu.memory_space<hbm>>)
      tpu.yield
    }) : () -> ()
    %dma_start3A_25 = arith.constant 256 : i32
    %dma_start3A_26 = tpu.memref_slice %arg5[%dma_start3A_25] : memref<384xi32, #tpu.memory_space<vmem>> -> memref<128xi32, #tpu.memory_space<vmem>>
    %dma_start3A_27 = arith.constant 0 : i32
    %dma_start3A_28 = arith.constant 0 : i32
    %dma_start3A_29 = tpu.memref_slice %arg2[%dma_start3A_27, %dma_start3A_28] : memref<51200x128xf32, #tpu.memory_space<hbm>> -> memref<51200x128xf32, #tpu.memory_space<hbm>>
    tpu.enqueue_indirect_dma source(%dma_start3A_29 : memref<51200x128xf32, #tpu.memory_space<hbm>>) target(%arg6 : memref<128x128xf32, #tpu.memory_space<vmem>>) offsets(%dma_start3A_26 : memref<128xi32, #tpu.memory_space<vmem>>) semaphore(%arg7 : memref<!tpu.dma_semaphore, #tpu.memory_space<semaphore_mem>>)
    %dma_wait3A_30 = arith.constant 256 : i32
    %dma_wait3A_31 = tpu.memref_slice %arg5[%dma_wait3A_30] : memref<384xi32, #tpu.memory_space<vmem>> -> memref<128xi32, #tpu.memory_space<vmem>>
    %dma_wait3A_32 = arith.constant 0 : i32
    %dma_wait3A_33 = arith.constant 0 : i32
    %dma_wait3A_34 = tpu.memref_slice %arg2[%dma_wait3A_32, %dma_wait3A_33] : memref<51200x128xf32, #tpu.memory_space<hbm>> -> memref<51200x128xf32, #tpu.memory_space<hbm>>
    tpu.wait_indirect_dma semaphore(%arg7 : memref<!tpu.dma_semaphore, #tpu.memory_space<semaphore_mem>>) src(%dma_wait3A_34 : memref<51200x128xf32, #tpu.memory_space<hbm>>) dst(%arg6 : memref<128x128xf32, #tpu.memory_space<vmem>>)
    %add3A_35 = arith.constant 256 : i32
    %add3A_36 = arith.addi %mul3A_2, %add3A_35 : i32
    "tpu.region"() ({
      %run_scoped3A = tpu.sem_alloc : memref<!tpu.dma_semaphore, #tpu.memory_space<semaphore_mem>>
      %dma_start3A_37 = arith.constant 0 : i32
      %dma_start3A_38 = tpu.memref_slice %arg4[%add3A_36, %dma_start3A_37] : memref<12288x128xf32, #tpu.memory_space<hbm>> -> memref<128x128xf32, #tpu.memory_space<hbm>>
      %dma_start3A_39 = arith.constant 0 : i32
      %dma_start3A_40 = tpu.memref_slice %arg4[%add3A_36, %dma_start3A_39] : memref<12288x128xf32, #tpu.memory_space<hbm>> -> memref<128x128xf32, #tpu.memory_space<hbm>>
      tpu.enqueue_dma source(%arg6 : memref<128x128xf32, #tpu.memory_space<vmem>>) target(%dma_start3A_40 : memref<128x128xf32, #tpu.memory_space<hbm>>) target_semaphore(%run_scoped3A : memref<!tpu.dma_semaphore, #tpu.memory_space<semaphore_mem>>)
      %dma_wait3A_41 = arith.constant 0 : i32
      %dma_wait3A_42 = tpu.memref_slice %arg4[%add3A_36, %dma_wait3A_41] : memref<12288x128xf32, #tpu.memory_space<hbm>> -> memref<128x128xf32, #tpu.memory_space<hbm>>
      %dma_wait3A_43 = arith.constant 0 : i32
      %dma_wait3A_44 = tpu.memref_slice %arg4[%add3A_36, %dma_wait3A_43] : memref<12288x128xf32, #tpu.memory_space<hbm>> -> memref<128x128xf32, #tpu.memory_space<hbm>>
      tpu.wait_dma2 semaphore(%run_scoped3A : memref<!tpu.dma_semaphore, #tpu.memory_space<semaphore_mem>>) src(%arg6 : memref<128x128xf32, #tpu.memory_space<vmem>>) dst(%dma_wait3A_44 : memref<128x128xf32, #tpu.memory_space<hbm>>)
      tpu.yield
    }) : () -> ()
    return
  }
}

module attributes {stable_mosaic.version = 14 : i64} {
  func.func @_depad_body(%arg0: i32, %arg1: memref<64x12800xf32, #tpu.memory_space<vmem>>, %arg2: memref<6400x128xf32, #tpu.memory_space<vmem>>) attributes {dimension_semantics = [#tpu.dimension_semantics<arbitrary>], iteration_bounds = array<i64: 8>, scalar_prefetch = 0 : i64, scratch_operands = 0 : i64, tpu.core_type = #tpu.core_type<tc>, window_params = [{transform_indices = @transform_0, window_bounds = array<i64: 64, 12800>}, {transform_indices = @transform_1, window_bounds = array<i64: 6400, 128>}]} {
    %get3A = arith.constant 0 : index
    %get3A_0 = arith.constant 0 : index
    %get3A_1 = vector.load %arg1[%get3A, %get3A_0] : memref<64x12800xf32, #tpu.memory_space<vmem>>, vector<64x12800xf32>
    %transpose3A = tpu.transpose %get3A_1, [1, 0] : vector<64x12800xf32> -> vector<12800x64xf32>
    %slice3A = vector.extract_strided_slice %transpose3A {offsets = [0, 0], sizes = [6400, 64], strides = [1, 1]} : vector<12800x64xf32> to vector<6400x64xf32>
    %slice3A_2 = vector.extract_strided_slice %transpose3A {offsets = [6400, 0], sizes = [6400, 64], strides = [1, 1]} : vector<12800x64xf32> to vector<6400x64xf32>
    %concatenate3A = tpu.concatenate %slice3A, %slice3A_2 in 1 : vector<6400x64xf32>, vector<6400x64xf32> -> vector<6400x128xf32>
    %swap3A = arith.constant 0 : index
    %swap3A_3 = arith.constant 0 : index
    %swap3A_4 = vector.load %arg2[%swap3A, %swap3A_3] : memref<6400x128xf32, #tpu.memory_space<vmem>>, vector<6400x128xf32>
    tpu.vector_store %arg2[%swap3A, %swap3A_3], %concatenate3A {strides = array<i32>} : memref<6400x128xf32, #tpu.memory_space<vmem>>, vector<6400x128xf32>,
    return
  }
  func.func @transform_0(%arg0: i32) -> (i32, i32) {
    %c0_i32 = arith.constant 0 : i32
    %c0_i32_0 = arith.constant 0 : i32
    return %c0_i32, %arg0 : i32, i32
  }
  func.func @transform_1(%arg0: i32) -> (i32, i32) {
    %c0_i32 = arith.constant 0 : i32
    %c0_i32_0 = arith.constant 0 : i32
    return %arg0, %c0_i32 : i32, i32
  }
}

module attributes {stable_mosaic.version = 14 : i64} {
  func.func @_tc_body(%arg0: i32, %arg1: memref<2048x128xf32, #tpu.memory_space<vmem>>, %arg2: memref<2048x128xf32, #tpu.memory_space<vmem>>, %arg3: memref<2048x128xf32, #tpu.memory_space<vmem>>, %arg4: memref<1x1x2048xi32, #tpu.memory_space<vmem>>, %arg5: memref<1x1x2048xi32, #tpu.memory_space<vmem>>, %arg6: memref<1x1x2048xi32, #tpu.memory_space<vmem>>, %arg7: memref<64x64xf32, #tpu.memory_space<vmem>>, %arg8: memref<1x1x2048xi32, #tpu.memory_space<vmem>>, %arg9: memref<512x512xbf16, #tpu.memory_space<vmem>>, %arg10: memref<1x1xf32, #tpu.memory_space<vmem>>, %arg11: memref<2xf32, #tpu.memory_space<smem>>) attributes {dimension_semantics = [#tpu.dimension_semantics<arbitrary>], iteration_bounds = array<i64: 2>, scalar_prefetch = 0 : i64, scratch_operands = 1 : i64, tpu.core_type = #tpu.core_type<tc>, window_params = [{transform_indices = @transform_0, window_bounds = array<i64: 2048, 128>}, {transform_indices = @transform_1, window_bounds = array<i64: 2048, 128>}, {transform_indices = @transform_2, window_bounds = array<i64: 2048, 128>}, {transform_indices = @transform_3, window_bounds = array<i64: 1, 1, 2048>}, {transform_indices = @transform_4, window_bounds = array<i64: 1, 1, 2048>}, {transform_indices = @transform_5, window_bounds = array<i64: 1, 1, 2048>}, {pipeline_mode = #tpu.pipeline_mode<synchronous>, transform_indices = @transform_6, window_bounds = array<i64: 64, 64>}, {transform_indices = @transform_7, window_bounds = array<i64: 1, 1, 2048>}, {pipeline_mode = #tpu.pipeline_mode<synchronous>, transform_indices = @transform_8, window_bounds = array<i64: 512, 512>}, {pipeline_mode = #tpu.pipeline_mode<synchronous>, transform_indices = @transform_9, window_bounds = array<i64: 1, 1>}]} {
    %eq3A = arith.constant 0 : i32
    %eq3A_0 = arith.cmpi eq, %arg0, %eq3A : i32
    %convert_element_type3A = arith.extui %eq3A_0 : i1 to i32
    %cond3A = arith.constant 0 : i32
    %cond3A_1 = arith.cmpi ne, %convert_element_type3A, %cond3A : i32
    scf.if %cond3A_1 {
      %swap3A_278 = arith.constant 0.000000e+00 : f32
      %swap3A_279 = arith.constant 0 : index
      %swap3A_280 = memref.load %arg11[%swap3A_279] : memref<2xf32, #tpu.memory_space<smem>>
      memref.store %swap3A_278, %arg11[%swap3A_279] : memref<2xf32, #tpu.memory_space<smem>>
      %swap3A_281 = arith.constant 0.000000e+00 : f32
      %swap3A_282 = arith.constant 1 : index
      %swap3A_283 = memref.load %arg11[%swap3A_282] : memref<2xf32, #tpu.memory_space<smem>>
      memref.store %swap3A_281, %arg11[%swap3A_282] : memref<2xf32, #tpu.memory_space<smem>>
    } else {
    }
    %get3A = arith.constant 0 : index
    %get3A_2 = arith.constant 0 : index
    %get3A_3 = vector.load %arg9[%get3A, %get3A_2] : memref<512x512xbf16, #tpu.memory_space<vmem>>, vector<512x512xbf16>
    %get3A_4 = arith.constant 0 : index
    %get3A_5 = arith.constant 0 : index
    %get3A_6 = arith.constant 0 : index
    %get3A_7 = vector.load %arg8[%get3A_4, %get3A_5, %get3A_6] : memref<1x1x2048xi32, #tpu.memory_space<vmem>>, vector<1x1x2048xi32>
    %get3A_8 = vector.shape_cast %get3A_7 : vector<1x1x2048xi32> to vector<1x2048xi32>
    %transpose3A = tpu.transpose %get3A_8, [1, 0] : vector<1x2048xi32> -> vector<2048x1xi32>
    %jit3A = arith.constant 8 : i32
    %div3A = vector.broadcast %jit3A : i32 to vector<2048x1xi32>
    %div3A_9 = arith.divsi %transpose3A, %div3A : vector<2048x1xi32>
    %sign3A = arith.constant 0 : i32
    %sign3A_10 = vector.broadcast %sign3A : i32 to vector<2048x1xi32>
    %sign3A_11 = arith.cmpi sgt, %transpose3A, %sign3A_10 : vector<2048x1xi32>
    %sign3A_12 = arith.extui %sign3A_11 : vector<2048x1xi1> to vector<2048x1xi32>
    %sign3A_13 = arith.constant 0 : i32
    %sign3A_14 = vector.broadcast %sign3A_13 : i32 to vector<2048x1xi32>
    %sign3A_15 = arith.cmpi slt, %transpose3A, %sign3A_14 : vector<2048x1xi32>
    %sign3A_16 = arith.extui %sign3A_15 : vector<2048x1xi1> to vector<2048x1xi32>
    %sign3A_17 = arith.subi %sign3A_12, %sign3A_16 : vector<2048x1xi32>
    %sign3A_18 = arith.constant 0 : i32
    %sign3A_19 = arith.cmpi sgt, %jit3A, %sign3A_18 : i32
    %sign3A_20 = arith.extui %sign3A_19 : i1 to i32
    %sign3A_21 = arith.constant 0 : i32
    %sign3A_22 = arith.cmpi slt, %jit3A, %sign3A_21 : i32
    %sign3A_23 = arith.extui %sign3A_22 : i1 to i32
    %sign3A_24 = arith.subi %sign3A_20, %sign3A_23 : i32
    %ne3A = vector.broadcast %sign3A_24 : i32 to vector<2048x1xi32>
    %ne3A_25 = arith.cmpi ne, %sign3A_17, %ne3A : vector<2048x1xi32>
    %rem3A = vector.broadcast %jit3A : i32 to vector<2048x1xi32>
    %rem3A_26 = arith.remsi %transpose3A, %rem3A : vector<2048x1xi32>
    %ne3A_27 = arith.constant 0 : i32
    %ne3A_28 = vector.broadcast %ne3A_27 : i32 to vector<2048x1xi32>
    %ne3A_29 = arith.cmpi ne, %rem3A_26, %ne3A_28 : vector<2048x1xi32>
    %and3A = arith.andi %ne3A_25, %ne3A_29 : vector<2048x1xi1>
    %sub3A = arith.constant 1 : i32
    %sub3A_30 = vector.broadcast %sub3A : i32 to vector<2048x1xi32>
    %sub3A_31 = arith.subi %div3A_9, %sub3A_30 : vector<2048x1xi32>
    %select_n3A = arith.select %and3A, %sub3A_31, %div3A_9 : vector<2048x1xi1>, vector<2048x1xi32>
    %jit3A_32 = arith.constant 8 : i32
    %eq3A_33 = arith.constant 0 : i32
    %eq3A_34 = arith.cmpi eq, %jit3A_32, %eq3A_33 : i32
    %jit3A_35 = arith.constant 1 : i32
    %select_n3A_36 = arith.select %eq3A_34, %jit3A_35, %jit3A_32 : i32
    %rem3A_37 = vector.broadcast %select_n3A_36 : i32 to vector<2048x1xi32>
    %rem3A_38 = arith.remsi %transpose3A, %rem3A_37 : vector<2048x1xi32>
    %ne3A_39 = arith.constant 0 : i32
    %ne3A_40 = vector.broadcast %ne3A_39 : i32 to vector<2048x1xi32>
    %ne3A_41 = arith.cmpi ne, %rem3A_38, %ne3A_40 : vector<2048x1xi32>
    %lt3A = arith.constant 0 : i32
    %lt3A_42 = vector.broadcast %lt3A : i32 to vector<2048x1xi32>
    %lt3A_43 = arith.cmpi slt, %rem3A_38, %lt3A_42 : vector<2048x1xi32>
    %lt3A_44 = arith.constant 0 : i32
    %lt3A_45 = arith.cmpi slt, %select_n3A_36, %lt3A_44 : i32
    %ne3A_46 = vector.broadcast %lt3A_45 : i1 to vector<2048x1xi1>
    %ne3A_47 = vector.broadcast %ne3A_46 : vector<2048x1xi1> to vector<2048x1xi1>
    %ne3A_48 = arith.xori %lt3A_43, %ne3A_47 : vector<2048x1xi1>
    %and3A_49 = arith.andi %ne3A_48, %ne3A_41 : vector<2048x1xi1>
    %add3A = vector.broadcast %select_n3A_36 : i32 to vector<2048x1xi32>
    %add3A_50 = arith.addi %rem3A_38, %add3A : vector<2048x1xi32>
    %select_n3A_51 = arith.select %and3A_49, %add3A_50, %rem3A_38 : vector<2048x1xi1>, vector<2048x1xi32>
    %iota3A = tpu.iota {dimensions = array<i32: 1>} : vector<1x512xi32>
    %jit3A_52 = arith.constant 64 : i32
    %div3A_53 = vector.broadcast %jit3A_52 : i32 to vector<1x512xi32>
    %div3A_54 = arith.divsi %iota3A, %div3A_53 : vector<1x512xi32>
    %sign3A_55 = arith.constant 0 : i32
    %sign3A_56 = vector.broadcast %sign3A_55 : i32 to vector<1x512xi32>
    %sign3A_57 = arith.cmpi sgt, %iota3A, %sign3A_56 : vector<1x512xi32>
    %sign3A_58 = arith.extui %sign3A_57 : vector<1x512xi1> to vector<1x512xi32>
    %sign3A_59 = arith.constant 0 : i32
    %sign3A_60 = vector.broadcast %sign3A_59 : i32 to vector<1x512xi32>
    %sign3A_61 = arith.cmpi slt, %iota3A, %sign3A_60 : vector<1x512xi32>
    %sign3A_62 = arith.extui %sign3A_61 : vector<1x512xi1> to vector<1x512xi32>
    %sign3A_63 = arith.subi %sign3A_58, %sign3A_62 : vector<1x512xi32>
    %sign3A_64 = arith.constant 0 : i32
    %sign3A_65 = arith.cmpi sgt, %jit3A_52, %sign3A_64 : i32
    %sign3A_66 = arith.extui %sign3A_65 : i1 to i32
    %sign3A_67 = arith.constant 0 : i32
    %sign3A_68 = arith.cmpi slt, %jit3A_52, %sign3A_67 : i32
    %sign3A_69 = arith.extui %sign3A_68 : i1 to i32
    %sign3A_70 = arith.subi %sign3A_66, %sign3A_69 : i32
    %ne3A_71 = vector.broadcast %sign3A_70 : i32 to vector<1x512xi32>
    %ne3A_72 = arith.cmpi ne, %sign3A_63, %ne3A_71 : vector<1x512xi32>
    %rem3A_73 = vector.broadcast %jit3A_52 : i32 to vector<1x512xi32>
    %rem3A_74 = arith.remsi %iota3A, %rem3A_73 : vector<1x512xi32>
    %ne3A_75 = arith.constant 0 : i32
    %ne3A_76 = vector.broadcast %ne3A_75 : i32 to vector<1x512xi32>
    %ne3A_77 = arith.cmpi ne, %rem3A_74, %ne3A_76 : vector<1x512xi32>
    %and3A_78 = arith.andi %ne3A_72, %ne3A_77 : vector<1x512xi1>
    %sub3A_79 = arith.constant 1 : i32
    %sub3A_80 = vector.broadcast %sub3A_79 : i32 to vector<1x512xi32>
    %sub3A_81 = arith.subi %div3A_54, %sub3A_80 : vector<1x512xi32>
    %select_n3A_82 = arith.select %and3A_78, %sub3A_81, %div3A_54 : vector<1x512xi1>, vector<1x512xi32>
    %eq3A_83 = vector.broadcast %select_n3A_82 : vector<1x512xi32> to vector<2048x512xi32>
    %eq3A_84 = vector.broadcast %select_n3A : vector<2048x1xi32> to vector<2048x512xi32>
    %eq3A_85 = arith.cmpi eq, %eq3A_83, %eq3A_84 : vector<2048x512xi32>
    %eq3A_86 = vector.broadcast %select_n3A_82 : vector<1x512xi32> to vector<2048x512xi32>
    %eq3A_87 = vector.broadcast %select_n3A_51 : vector<2048x1xi32> to vector<2048x512xi32>
    %eq3A_88 = arith.cmpi eq, %eq3A_86, %eq3A_87 : vector<2048x512xi32>
    %iota3A_89 = tpu.iota {dimensions = array<i32: 0>} : vector<512x64xi32>
    %jit3A_90 = arith.constant 64 : i32
    %eq3A_91 = arith.constant 0 : i32
    %eq3A_92 = arith.cmpi eq, %jit3A_90, %eq3A_91 : i32
    %jit3A_93 = arith.constant 1 : i32
    %select_n3A_94 = arith.select %eq3A_92, %jit3A_93, %jit3A_90 : i32
    %rem3A_95 = vector.broadcast %select_n3A_94 : i32 to vector<512x64xi32>
    %rem3A_96 = arith.remsi %iota3A_89, %rem3A_95 : vector<512x64xi32>
    %ne3A_97 = arith.constant 0 : i32
    %ne3A_98 = vector.broadcast %ne3A_97 : i32 to vector<512x64xi32>
    %ne3A_99 = arith.cmpi ne, %rem3A_96, %ne3A_98 : vector<512x64xi32>
    %lt3A_100 = arith.constant 0 : i32
    %lt3A_101 = vector.broadcast %lt3A_100 : i32 to vector<512x64xi32>
    %lt3A_102 = arith.cmpi slt, %rem3A_96, %lt3A_101 : vector<512x64xi32>
    %lt3A_103 = arith.constant 0 : i32
    %lt3A_104 = arith.cmpi slt, %select_n3A_94, %lt3A_103 : i32
    %ne3A_105 = vector.broadcast %lt3A_104 : i1 to vector<512x64xi1>
    %ne3A_106 = vector.broadcast %ne3A_105 : vector<512x64xi1> to vector<512x64xi1>
    %ne3A_107 = arith.xori %lt3A_102, %ne3A_106 : vector<512x64xi1>
    %and3A_108 = arith.andi %ne3A_107, %ne3A_99 : vector<512x64xi1>
    %add3A_109 = vector.broadcast %select_n3A_94 : i32 to vector<512x64xi32>
    %add3A_110 = arith.addi %rem3A_96, %add3A_109 : vector<512x64xi32>
    %select_n3A_111 = arith.select %and3A_108, %add3A_110, %rem3A_96 : vector<512x64xi1>, vector<512x64xi32>
    %iota3A_112 = tpu.iota {dimensions = array<i32: 1>} : vector<512x64xi32>
    %eq3A_113 = arith.cmpi eq, %select_n3A_111, %iota3A_112 : vector<512x64xi32>
    %convert_element_type3A_114 = arith.extui %eq3A_113 : vector<512x64xi1> to vector<512x64xi32>
    %convert_element_type3A_115 = arith.sitofp %convert_element_type3A_114 : vector<512x64xi32> to vector<512x64xf32>
    %get3A_116 = arith.constant 0 : index
    %get3A_117 = arith.constant 0 : index
    %get3A_118 = vector.load %arg1[%get3A_116, %get3A_117] : memref<2048x128xf32, #tpu.memory_space<vmem>>, vector<2048x128xf32>
    %get3A_119 = arith.constant 0 : index
    %get3A_120 = arith.constant 0 : index
    %get3A_121 = arith.constant 0 : index
    %get3A_122 = vector.load %arg4[%get3A_119, %get3A_120, %get3A_121] : memref<1x1x2048xi32, #tpu.memory_space<vmem>>, vector<1x1x2048xi32>
    %get3A_123 = vector.shape_cast %get3A_122 : vector<1x1x2048xi32> to vector<1x2048xi32>
    %transpose3A_124 = tpu.transpose %get3A_123, [1, 0] : vector<1x2048xi32> -> vector<2048x1xi32>
    %eq3A_125 = arith.constant 1 : i32
    %eq3A_126 = vector.broadcast %eq3A_125 : i32 to vector<2048x1xi32>
    %eq3A_127 = arith.cmpi eq, %transpose3A_124, %eq3A_126 : vector<2048x1xi32>
    %slice3A = vector.extract_strided_slice %get3A_118 {offsets = [0, 64], sizes = [2048, 64], strides = [1, 1]} : vector<2048x128xf32> to vector<2048x64xf32>
    %slice3A_128 = vector.extract_strided_slice %get3A_118 {offsets = [0, 0], sizes = [2048, 64], strides = [1, 1]} : vector<2048x128xf32> to vector<2048x64xf32>
    %broadcast_in_dim3A = vector.shape_cast %eq3A_127 : vector<2048x1xi1> to vector<2048x1xi1>
    %broadcast_in_dim3A_129 = vector.broadcast %broadcast_in_dim3A : vector<2048x1xi1> to vector<2048x64xi1>
    %select_n3A_130 = arith.select %broadcast_in_dim3A_129, %slice3A, %slice3A_128 : vector<2048x64xi1>, vector<2048x64xf32>
    %convert_element_type3A_131 = arith.truncf %select_n3A_130 : vector<2048x64xf32> to vector<2048x64xbf16>
    %tile3A = tpu.concatenate %convert_element_type3A_131, %convert_element_type3A_131, %convert_element_type3A_131, %convert_element_type3A_131, %convert_element_type3A_131, %convert_element_type3A_131, %convert_element_type3A_131, %convert_element_type3A_131 in 1 : vector<2048x64xbf16>, vector<2048x64xbf16>, vector<2048x64xbf16>, vector<2048x64xbf16>, vector<2048x64xbf16>, vector<2048x64xbf16>, vector<2048x64xbf16>, vector<2048x64xbf16> -> vector<2048x512xbf16>
    %jit3A_132 = arith.constant 0.000000e+00 : bf16
    %broadcast_in_dim3A_133 = vector.broadcast %jit3A_132 : bf16 to vector<2048x512xbf16>
    %select_n3A_134 = arith.select %eq3A_85, %tile3A, %broadcast_in_dim3A_133 : vector<2048x512xi1>, vector<2048x512xbf16>
    %dot_general3A = arith.constant dense<0.000000e+00> : vector<2048x512xf32>
    %dot_general3A_135 = tpu.matmul %select_n3A_134, %get3A_3, %dot_general3A {dimension_numbers = #tpu.dot_dimension_numbers<[1], [0], [0], [1], [0, 0, 1, 1], [], []>, transpose_lhs_hint = false} : vector<2048x512xbf16>, vector<512x512xbf16>, vector<2048x512xf32> -> vector<2048x512xf32>
    %jit3A_136 = arith.constant 0.000000e+00 : f32
    %broadcast_in_dim3A_137 = vector.broadcast %jit3A_136 : f32 to vector<2048x512xf32>
    %select_n3A_138 = arith.select %eq3A_88, %dot_general3A_135, %broadcast_in_dim3A_137 : vector<2048x512xi1>, vector<2048x512xf32>
    %dot_general3A_139 = arith.constant dense<0.000000e+00> : vector<2048x64xf32>
    %dot_general3A_140 = tpu.matmul %select_n3A_138, %convert_element_type3A_115, %dot_general3A_139 {dimension_numbers = #tpu.dot_dimension_numbers<[1], [0], [0], [1], [0, 0, 1, 1], [], []>, transpose_lhs_hint = false} : vector<2048x512xf32>, vector<512x64xf32>, vector<2048x64xf32> -> vector<2048x64xf32>
    %get3A_141 = arith.constant 0 : index
    %get3A_142 = arith.constant 0 : index
    %get3A_143 = vector.load %arg2[%get3A_141, %get3A_142] : memref<2048x128xf32, #tpu.memory_space<vmem>>, vector<2048x128xf32>
    %get3A_144 = arith.constant 0 : index
    %get3A_145 = arith.constant 0 : index
    %get3A_146 = arith.constant 0 : index
    %get3A_147 = vector.load %arg5[%get3A_144, %get3A_145, %get3A_146] : memref<1x1x2048xi32, #tpu.memory_space<vmem>>, vector<1x1x2048xi32>
    %get3A_148 = vector.shape_cast %get3A_147 : vector<1x1x2048xi32> to vector<1x2048xi32>
    %transpose3A_149 = tpu.transpose %get3A_148, [1, 0] : vector<1x2048xi32> -> vector<2048x1xi32>
    %eq3A_150 = arith.constant 1 : i32
    %eq3A_151 = vector.broadcast %eq3A_150 : i32 to vector<2048x1xi32>
    %eq3A_152 = arith.cmpi eq, %transpose3A_149, %eq3A_151 : vector<2048x1xi32>
    %slice3A_153 = vector.extract_strided_slice %get3A_143 {offsets = [0, 64], sizes = [2048, 64], strides = [1, 1]} : vector<2048x128xf32> to vector<2048x64xf32>
    %slice3A_154 = vector.extract_strided_slice %get3A_143 {offsets = [0, 0], sizes = [2048, 64], strides = [1, 1]} : vector<2048x128xf32> to vector<2048x64xf32>
    %broadcast_in_dim3A_155 = vector.shape_cast %eq3A_152 : vector<2048x1xi1> to vector<2048x1xi1>
    %broadcast_in_dim3A_156 = vector.broadcast %broadcast_in_dim3A_155 : vector<2048x1xi1> to vector<2048x64xi1>
    %select_n3A_157 = arith.select %broadcast_in_dim3A_156, %slice3A_153, %slice3A_154 : vector<2048x64xi1>, vector<2048x64xf32>
    %convert_element_type3A_158 = arith.truncf %select_n3A_157 : vector<2048x64xf32> to vector<2048x64xbf16>
    %tile3A_159 = tpu.concatenate %convert_element_type3A_158, %convert_element_type3A_158, %convert_element_type3A_158, %convert_element_type3A_158, %convert_element_type3A_158, %convert_element_type3A_158, %convert_element_type3A_158, %convert_element_type3A_158 in 1 : vector<2048x64xbf16>, vector<2048x64xbf16>, vector<2048x64xbf16>, vector<2048x64xbf16>, vector<2048x64xbf16>, vector<2048x64xbf16>, vector<2048x64xbf16>, vector<2048x64xbf16> -> vector<2048x512xbf16>
    %jit3A_160 = arith.constant 0.000000e+00 : bf16
    %broadcast_in_dim3A_161 = vector.broadcast %jit3A_160 : bf16 to vector<2048x512xbf16>
    %select_n3A_162 = arith.select %eq3A_85, %tile3A_159, %broadcast_in_dim3A_161 : vector<2048x512xi1>, vector<2048x512xbf16>
    %dot_general3A_163 = arith.constant dense<0.000000e+00> : vector<2048x512xf32>
    %dot_general3A_164 = tpu.matmul %select_n3A_162, %get3A_3, %dot_general3A_163 {dimension_numbers = #tpu.dot_dimension_numbers<[1], [0], [0], [1], [0, 0, 1, 1], [], []>, transpose_lhs_hint = false} : vector<2048x512xbf16>, vector<512x512xbf16>, vector<2048x512xf32> -> vector<2048x512xf32>
    %jit3A_165 = arith.constant 0.000000e+00 : f32
    %broadcast_in_dim3A_166 = vector.broadcast %jit3A_165 : f32 to vector<2048x512xf32>
    %select_n3A_167 = arith.select %eq3A_88, %dot_general3A_164, %broadcast_in_dim3A_166 : vector<2048x512xi1>, vector<2048x512xf32>
    %dot_general3A_168 = arith.constant dense<0.000000e+00> : vector<2048x64xf32>
    %dot_general3A_169 = tpu.matmul %select_n3A_167, %convert_element_type3A_115, %dot_general3A_168 {dimension_numbers = #tpu.dot_dimension_numbers<[1], [0], [0], [1], [0, 0, 1, 1], [], []>, transpose_lhs_hint = false} : vector<2048x512xf32>, vector<512x64xf32>, vector<2048x64xf32> -> vector<2048x64xf32>
    %get3A_170 = arith.constant 0 : index
    %get3A_171 = arith.constant 0 : index
    %get3A_172 = vector.load %arg3[%get3A_170, %get3A_171] : memref<2048x128xf32, #tpu.memory_space<vmem>>, vector<2048x128xf32>
    %get3A_173 = arith.constant 0 : index
    %get3A_174 = arith.constant 0 : index
    %get3A_175 = arith.constant 0 : index
    %get3A_176 = vector.load %arg6[%get3A_173, %get3A_174, %get3A_175] : memref<1x1x2048xi32, #tpu.memory_space<vmem>>, vector<1x1x2048xi32>
    %get3A_177 = vector.shape_cast %get3A_176 : vector<1x1x2048xi32> to vector<1x2048xi32>
    %transpose3A_178 = tpu.transpose %get3A_177, [1, 0] : vector<1x2048xi32> -> vector<2048x1xi32>
    %eq3A_179 = arith.constant 1 : i32
    %eq3A_180 = vector.broadcast %eq3A_179 : i32 to vector<2048x1xi32>
    %eq3A_181 = arith.cmpi eq, %transpose3A_178, %eq3A_180 : vector<2048x1xi32>
    %slice3A_182 = vector.extract_strided_slice %get3A_172 {offsets = [0, 64], sizes = [2048, 64], strides = [1, 1]} : vector<2048x128xf32> to vector<2048x64xf32>
    %slice3A_183 = vector.extract_strided_slice %get3A_172 {offsets = [0, 0], sizes = [2048, 64], strides = [1, 1]} : vector<2048x128xf32> to vector<2048x64xf32>
    %broadcast_in_dim3A_184 = vector.shape_cast %eq3A_181 : vector<2048x1xi1> to vector<2048x1xi1>
    %broadcast_in_dim3A_185 = vector.broadcast %broadcast_in_dim3A_184 : vector<2048x1xi1> to vector<2048x64xi1>
    %select_n3A_186 = arith.select %broadcast_in_dim3A_185, %slice3A_182, %slice3A_183 : vector<2048x64xi1>, vector<2048x64xf32>
    %convert_element_type3A_187 = arith.truncf %select_n3A_186 : vector<2048x64xf32> to vector<2048x64xbf16>
    %tile3A_188 = tpu.concatenate %convert_element_type3A_187, %convert_element_type3A_187, %convert_element_type3A_187, %convert_element_type3A_187, %convert_element_type3A_187, %convert_element_type3A_187, %convert_element_type3A_187, %convert_element_type3A_187 in 1 : vector<2048x64xbf16>, vector<2048x64xbf16>, vector<2048x64xbf16>, vector<2048x64xbf16>, vector<2048x64xbf16>, vector<2048x64xbf16>, vector<2048x64xbf16>, vector<2048x64xbf16> -> vector<2048x512xbf16>
    %jit3A_189 = arith.constant 0.000000e+00 : bf16
    %broadcast_in_dim3A_190 = vector.broadcast %jit3A_189 : bf16 to vector<2048x512xbf16>
    %select_n3A_191 = arith.select %eq3A_85, %tile3A_188, %broadcast_in_dim3A_190 : vector<2048x512xi1>, vector<2048x512xbf16>
    %dot_general3A_192 = arith.constant dense<0.000000e+00> : vector<2048x512xf32>
    %dot_general3A_193 = tpu.matmul %select_n3A_191, %get3A_3, %dot_general3A_192 {dimension_numbers = #tpu.dot_dimension_numbers<[1], [0], [0], [1], [0, 0, 1, 1], [], []>, transpose_lhs_hint = false} : vector<2048x512xbf16>, vector<512x512xbf16>, vector<2048x512xf32> -> vector<2048x512xf32>
    %jit3A_194 = arith.constant 0.000000e+00 : f32
    %broadcast_in_dim3A_195 = vector.broadcast %jit3A_194 : f32 to vector<2048x512xf32>
    %select_n3A_196 = arith.select %eq3A_88, %dot_general3A_193, %broadcast_in_dim3A_195 : vector<2048x512xi1>, vector<2048x512xf32>
    %dot_general3A_197 = arith.constant dense<0.000000e+00> : vector<2048x64xf32>
    %dot_general3A_198 = tpu.matmul %select_n3A_196, %convert_element_type3A_115, %dot_general3A_197 {dimension_numbers = #tpu.dot_dimension_numbers<[1], [0], [0], [1], [0, 0, 1, 1], [], []>, transpose_lhs_hint = false} : vector<2048x512xf32>, vector<512x64xf32>, vector<2048x64xf32> -> vector<2048x64xf32>
    %iota3A_199 = tpu.iota {dimensions = array<i32: 1>} : vector<1x64xi32>
    %eq3A_200 = vector.broadcast %iota3A_199 : vector<1x64xi32> to vector<2048x64xi32>
    %eq3A_201 = vector.broadcast %transpose3A : vector<2048x1xi32> to vector<2048x64xi32>
    %eq3A_202 = arith.cmpi eq, %eq3A_200, %eq3A_201 : vector<2048x64xi32>
    %convert_element_type3A_203 = arith.extui %eq3A_202 : vector<2048x64xi1> to vector<2048x64xi32>
    %convert_element_type3A_204 = arith.sitofp %convert_element_type3A_203 : vector<2048x64xi32> to vector<2048x64xf32>
    %get3A_205 = arith.constant 0 : index
    %get3A_206 = arith.constant 0 : index
    %get3A_207 = vector.load %arg7[%get3A_205, %get3A_206] : memref<64x64xf32, #tpu.memory_space<vmem>>, vector<64x64xf32>
    %dot_general3A_208 = arith.constant dense<0.000000e+00> : vector<2048x64xf32>
    %dot_general3A_209 = tpu.matmul %convert_element_type3A_204, %get3A_207, %dot_general3A_208 {dimension_numbers = #tpu.dot_dimension_numbers<[1], [0], [0], [1], [0, 0, 1, 1], [], []>, transpose_lhs_hint = false} : vector<2048x64xf32>, vector<64x64xf32>, vector<2048x64xf32> -> vector<2048x64xf32>
    %add3A_210 = arith.addf %dot_general3A_140, %dot_general3A_209 : vector<2048x64xf32>
    %sub3A_211 = arith.subf %add3A_210, %dot_general3A_169 : vector<2048x64xf32>
    %square3A = arith.mulf %sub3A_211, %sub3A_211 : vector<2048x64xf32>
    %reduce_sum3A = arith.constant dense<0.000000e+00> : vector<2048xf32>
    %reduce_sum3A_212 = vector.multi_reduction <add>, %square3A, %reduce_sum3A [1] : vector<2048x64xf32> to vector<2048xf32>
    %broadcast_in_dim3A_213 = vector.shape_cast %reduce_sum3A_212 : vector<2048xf32> to vector<2048x1xf32>
    %sub3A_214 = arith.subf %add3A_210, %dot_general3A_198 : vector<2048x64xf32>
    %square3A_215 = arith.mulf %sub3A_214, %sub3A_214 : vector<2048x64xf32>
    %reduce_sum3A_216 = arith.constant dense<0.000000e+00> : vector<2048xf32>
    %reduce_sum3A_217 = vector.multi_reduction <add>, %square3A_215, %reduce_sum3A_216 [1] : vector<2048x64xf32> to vector<2048xf32>
    %broadcast_in_dim3A_218 = vector.shape_cast %reduce_sum3A_217 : vector<2048xf32> to vector<2048x1xf32>
    %sub3A_219 = arith.subf %broadcast_in_dim3A_218, %broadcast_in_dim3A_213 : vector<2048x1xf32>
    %neg3A = arith.constant 0.000000e+00 : f32
    %neg3A_220 = vector.broadcast %neg3A : f32 to vector<2048x1xf32>
    %neg3A_221 = arith.subf %neg3A_220, %sub3A_219 : vector<2048x1xf32>
    %max3A = arith.constant 0.000000e+00 : f32
    %max3A_222 = vector.broadcast %max3A : f32 to vector<2048x1xf32>
    %max3A_223 = arith.maximumf %neg3A_221, %max3A_222 : vector<2048x1xf32>
    %abs3A = math.absf %sub3A_219 : vector<2048x1xf32>
    %neg3A_224 = arith.constant 0.000000e+00 : f32
    %neg3A_225 = vector.broadcast %neg3A_224 : f32 to vector<2048x1xf32>
    %neg3A_226 = arith.subf %neg3A_225, %abs3A : vector<2048x1xf32>
    %exp3A = math.exp %neg3A_226 : vector<2048x1xf32>
    %add3A_227 = arith.constant 1.000000e+00 : f32
    %add3A_228 = vector.broadcast %add3A_227 : f32 to vector<2048x1xf32>
    %add3A_229 = arith.addf %add3A_228, %exp3A : vector<2048x1xf32>
    %log3A = math.log %add3A_229 : vector<2048x1xf32>
    %add3A_230 = arith.addf %max3A_223, %log3A : vector<2048x1xf32>
    %square3A_231 = arith.mulf %dot_general3A_140, %dot_general3A_140 : vector<2048x64xf32>
    %reduce_sum3A_232 = vector.shape_cast %square3A_231 : vector<2048x64xf32> to vector<1x2048x64xf32>
    %reduce_sum3A_233 = arith.constant dense<0.000000e+00> : vector<1xf32>
    %reduce_sum3A_234 = vector.multi_reduction <add>, %reduce_sum3A_232, %reduce_sum3A_233 [1, 2] : vector<1x2048x64xf32> to vector<1xf32>
    %reduce_sum3A_235 = vector.shape_cast %reduce_sum3A_234 : vector<1xf32> to vector<1x1x1xf32>
    %reduce_sum3A_236 = vector.extract %reduce_sum3A_235[0, 0, 0] : f32 from vector<1x1x1xf32>
    %square3A_237 = arith.mulf %dot_general3A_209, %dot_general3A_209 : vector<2048x64xf32>
    %reduce_sum3A_238 = vector.shape_cast %square3A_237 : vector<2048x64xf32> to vector<1x2048x64xf32>
    %reduce_sum3A_239 = arith.constant dense<0.000000e+00> : vector<1xf32>
    %reduce_sum3A_240 = vector.multi_reduction <add>, %reduce_sum3A_238, %reduce_sum3A_239 [1, 2] : vector<1x2048x64xf32> to vector<1xf32>
    %reduce_sum3A_241 = vector.shape_cast %reduce_sum3A_240 : vector<1xf32> to vector<1x1x1xf32>
    %reduce_sum3A_242 = vector.extract %reduce_sum3A_241[0, 0, 0] : f32 from vector<1x1x1xf32>
    %add3A_243 = arith.addf %reduce_sum3A_236, %reduce_sum3A_242 : f32
    %square3A_244 = arith.mulf %dot_general3A_169, %dot_general3A_169 : vector<2048x64xf32>
    %reduce_sum3A_245 = vector.shape_cast %square3A_244 : vector<2048x64xf32> to vector<1x2048x64xf32>
    %reduce_sum3A_246 = arith.constant dense<0.000000e+00> : vector<1xf32>
    %reduce_sum3A_247 = vector.multi_reduction <add>, %reduce_sum3A_245, %reduce_sum3A_246 [1, 2] : vector<1x2048x64xf32> to vector<1xf32>
    %reduce_sum3A_248 = vector.shape_cast %reduce_sum3A_247 : vector<1xf32> to vector<1x1x1xf32>
    %reduce_sum3A_249 = vector.extract %reduce_sum3A_248[0, 0, 0] : f32 from vector<1x1x1xf32>
    %add3A_250 = arith.addf %add3A_243, %reduce_sum3A_249 : f32
    %square3A_251 = arith.mulf %dot_general3A_198, %dot_general3A_198 : vector<2048x64xf32>
    %reduce_sum3A_252 = vector.shape_cast %square3A_251 : vector<2048x64xf32> to vector<1x2048x64xf32>
    %reduce_sum3A_253 = arith.constant dense<0.000000e+00> : vector<1xf32>
    %reduce_sum3A_254 = vector.multi_reduction <add>, %reduce_sum3A_252, %reduce_sum3A_253 [1, 2] : vector<1x2048x64xf32> to vector<1xf32>
    %reduce_sum3A_255 = vector.shape_cast %reduce_sum3A_254 : vector<1xf32> to vector<1x1x1xf32>
    %reduce_sum3A_256 = vector.extract %reduce_sum3A_255[0, 0, 0] : f32 from vector<1x1x1xf32>
    %add3A_257 = arith.addf %add3A_250, %reduce_sum3A_256 : f32
    %mul3A = arith.constant 5.000000e-01 : f32
    %mul3A_258 = arith.mulf %mul3A, %add3A_257 : f32
    %get3A_259 = arith.constant 0 : index
    %get3A_260 = memref.load %arg11[%get3A_259] : memref<2xf32, #tpu.memory_space<smem>>
    %reduce_sum3A_261 = vector.shape_cast %add3A_230 : vector<2048x1xf32> to vector<1x2048x1xf32>
    %reduce_sum3A_262 = arith.constant dense<0.000000e+00> : vector<1xf32>
    %reduce_sum3A_263 = vector.multi_reduction <add>, %reduce_sum3A_261, %reduce_sum3A_262 [1, 2] : vector<1x2048x1xf32> to vector<1xf32>
    %reduce_sum3A_264 = vector.shape_cast %reduce_sum3A_263 : vector<1xf32> to vector<1x1x1xf32>
    %reduce_sum3A_265 = vector.extract %reduce_sum3A_264[0, 0, 0] : f32 from vector<1x1x1xf32>
    %add3A_266 = arith.addf %get3A_260, %reduce_sum3A_265 : f32
    %swap3A = arith.constant 0 : index
    %swap3A_267 = memref.load %arg11[%swap3A] : memref<2xf32, #tpu.memory_space<smem>>
    memref.store %add3A_266, %arg11[%swap3A] : memref<2xf32, #tpu.memory_space<smem>>
    %get3A_268 = arith.constant 1 : index
    %get3A_269 = memref.load %arg11[%get3A_268] : memref<2xf32, #tpu.memory_space<smem>>
    %add3A_270 = arith.addf %get3A_269, %mul3A_258 : f32
    %swap3A_271 = arith.constant 1 : index
    %swap3A_272 = memref.load %arg11[%swap3A_271] : memref<2xf32, #tpu.memory_space<smem>>
    memref.store %add3A_270, %arg11[%swap3A_271] : memref<2xf32, #tpu.memory_space<smem>>
    %eq3A_273 = arith.constant 1 : i32
    %eq3A_274 = arith.cmpi eq, %arg0, %eq3A_273 : i32
    %convert_element_type3A_275 = arith.extui %eq3A_274 : i1 to i32
    %cond3A_276 = arith.constant 0 : i32
    %cond3A_277 = arith.cmpi ne, %convert_element_type3A_275, %cond3A_276 : i32
    scf.if %cond3A_277 {
      %get3A_278 = arith.constant 0 : index
      %get3A_279 = memref.load %arg11[%get3A_278] : memref<2xf32, #tpu.memory_space<smem>>
      %div3A_280 = arith.constant 4.096000e+03 : f32
      %div3A_281 = arith.divf %get3A_279, %div3A_280 : f32
      %get3A_282 = arith.constant 1 : index
      %get3A_283 = memref.load %arg11[%get3A_282] : memref<2xf32, #tpu.memory_space<smem>>
      %div3A_284 = arith.constant 4.096000e+03 : f32
      %div3A_285 = arith.divf %get3A_283, %div3A_284 : f32
      %mul3A_286 = arith.constant 9.99999974E-6 : f32
      %mul3A_287 = arith.mulf %mul3A_286, %div3A_285 : f32
      %add3A_288 = arith.addf %div3A_281, %mul3A_287 : f32
      %broadcast_in_dim3A_289 = vector.broadcast %add3A_288 : f32 to vector<1x1xf32>
      %swap3A_290 = arith.constant 0 : index
      %swap3A_291 = arith.constant 0 : index
      %swap3A_292 = vector.load %arg10[%swap3A_290, %swap3A_291] : memref<1x1xf32, #tpu.memory_space<vmem>>, vector<1x1xf32>
      tpu.vector_store %arg10[%swap3A_290, %swap3A_291], %broadcast_in_dim3A_289 {strides = array<i32>} : memref<1x1xf32, #tpu.memory_space<vmem>>, vector<1x1xf32>,
    } else {
    }
    return
  }
  func.func @transform_0(%arg0: i32) -> (i32, i32) {
    %add3A = arith.constant 0 : i32
    %add3A_0 = arith.addi %arg0, %add3A : i32
    %c0_i32 = arith.constant 0 : i32
    %c0_i32_1 = arith.constant 0 : i32
    return %add3A_0, %c0_i32 : i32, i32
  }
  func.func @transform_1(%arg0: i32) -> (i32, i32) {
    %add3A = arith.constant 2 : i32
    %add3A_0 = arith.addi %arg0, %add3A : i32
    %c0_i32 = arith.constant 0 : i32
    %c0_i32_1 = arith.constant 0 : i32
    return %add3A_0, %c0_i32 : i32, i32
  }
  func.func @transform_2(%arg0: i32) -> (i32, i32) {
    %add3A = arith.constant 4 : i32
    %add3A_0 = arith.addi %arg0, %add3A : i32
    %c0_i32 = arith.constant 0 : i32
    %c0_i32_1 = arith.constant 0 : i32
    return %add3A_0, %c0_i32 : i32, i32
  }
  func.func @transform_3(%arg0: i32) -> (i32, i32, i32) {
    %add3A = arith.constant 0 : i32
    %add3A_0 = arith.addi %add3A, %arg0 : i32
    %c0_i32 = arith.constant 0 : i32
    %c0_i32_1 = arith.constant 0 : i32
    %c0_i32_2 = arith.constant 0 : i32
    return %add3A_0, %c0_i32, %c0_i32_1 : i32, i32, i32
  }
  func.func @transform_4(%arg0: i32) -> (i32, i32, i32) {
    %add3A = arith.constant 2 : i32
    %add3A_0 = arith.addi %add3A, %arg0 : i32
    %c0_i32 = arith.constant 0 : i32
    %c0_i32_1 = arith.constant 0 : i32
    %c0_i32_2 = arith.constant 0 : i32
    return %add3A_0, %c0_i32, %c0_i32_1 : i32, i32, i32
  }
  func.func @transform_5(%arg0: i32) -> (i32, i32, i32) {
    %add3A = arith.constant 4 : i32
    %add3A_0 = arith.addi %add3A, %arg0 : i32
    %c0_i32 = arith.constant 0 : i32
    %c0_i32_1 = arith.constant 0 : i32
    %c0_i32_2 = arith.constant 0 : i32
    return %add3A_0, %c0_i32, %c0_i32_1 : i32, i32, i32
  }
  func.func @transform_6(%arg0: i32) -> (i32, i32) {
    %c0_i32 = arith.constant 0 : i32
    %c0_i32_0 = arith.constant 0 : i32
    %c0_i32_1 = arith.constant 0 : i32
    return %c0_i32, %c0_i32_0 : i32, i32
  }
  func.func @transform_7(%arg0: i32) -> (i32, i32, i32) {
    %c0_i32 = arith.constant 0 : i32
    %c0_i32_0 = arith.constant 0 : i32
    %c0_i32_1 = arith.constant 0 : i32
    return %arg0, %c0_i32, %c0_i32_0 : i32, i32, i32
  }
  func.func @transform_8(%arg0: i32) -> (i32, i32) {
    %c0_i32 = arith.constant 0 : i32
    %c0_i32_0 = arith.constant 0 : i32
    %c0_i32_1 = arith.constant 0 : i32
    return %c0_i32, %c0_i32_0 : i32, i32
  }
  func.func @transform_9(%arg0: i32) -> (i32, i32) {
    %c0_i32 = arith.constant 0 : i32
    %c0_i32_0 = arith.constant 0 : i32
    %c0_i32_1 = arith.constant 0 : i32
    return %c0_i32, %c0_i32_0 : i32, i32
  }
}

</mosaic_0001>

<sc_bundles>
// kernel: kernel.5.cloned.1.call-start
scs
__scs_entry_jumppad:
0x0: {  	(pc) =	sbr.rel $0x88, $3  }
0x1: {  	(tag) =	ssettag $0x0;
	lr =	simm.s32 $0x1  }
0x2: {  	[smem:$0x3F9A] =	sst lr;
	_ =	strace $0xD0000000  }
0x3: {  	_ = 	snop  }
0x4: {  	_ = 	snop  }
0x5: {  	_ = 	snop  }
0x6: {  	_ = 	snop  }
0x7: {  	_ = 	snop  }
__scs_overlays_trampoline_lowered:
0x8: {  	[smem:$0x3FA9] =	sst s0  }
0x9: {  	[smem:$0x3FAA] =	sst s1  }
0xa: {  	[smem:$0x3FAB] =	sst s2  }
0xb: {  	[smem:$0x3FAC] =	sst s3  }
0xc: {  	[smem:$0x3FAD] =	sst s4  }
0xd: {  	[smem:$0x3FAE] =	sst s5  }
0xe: {  	[smem:$0x3FAF] =	sst s6  }
0xf: {  	[smem:$0x3FB0] =	sst s7  }
0x10: {  	[smem:$0x3FB1] =	sst s8  }
0x11: {  	[smem:$0x3FB2] =	sst s9;
	s0 =	simm.s32 @!p0 $0x0  }
0x12: {  	s1 =	sld [smem:$0x3F98];
	s0 =	simm.s32 @p0 $0x1  }
0x13: {  	[smem:$0x3FB3] =	sst s0;
	s0 =	simm.s32 @!p1 $0x0  }
0x14: {  	s2 =	sld [smem:$0x3F97];
	s0 =	simm.s32 @p1 $0x1  }
0x15: {  	[smem:$0x3FB4] =	sst s0;
	s0 =	simm.s32 @!p2 $0x0  }
0x16: {  	s3 =	sld [smem:$0x3FDB];
	s0 =	simm.s32 @p2 $0x1  }
0x17: {  	s4 =	simm.s32 $0x1BF5;
	[smem:$0x3FB6] =	sst s0  }
0x18: {  	s0 =	sld [smem:$0x3F99];
	_ =	swait.ge [sflag:s4], $0x0  }
0x19: {  	s7 =	sld [smem:$0x3F9A]  }
0x1a: {  	s8 =	sadd.s32 $0xFFFFE003, lr  }
0x1b: {  	s9 =	sadd.s32 $0xFFFFFEF7, lr;
	s5 =	simm.s32 $0xFFFFFFFF;
	p2 =	slt.u32 s8, $0xFFFFF086  }
0x1c: {  	p1 =	slt.u32 s9, $0xF7A;
	s5 =	simm.s32 @!p2 $0x0  }
0x1d: {  	s5 =	simm.s32 @p1 $0x1;
	p0 =	seq.s32 s7, s2  }
0x1e: {  	s7 =	smul.u32 @!p0 $0xF7A, s2;
	p2 =	seq.s32 @!p0 s5, $0x0  }
0x1f: {  	s9 =	smul.u32 $0xF7A, s1;
	s8 =	simm.s32 @!p0 $0x1BF5;
	p2 =	por !p2, p0  }
0x20: {  	[sflag:s8] =	ssyncset.s32 @!p0 $0xFFFFF086;
	s6 =	sadd.s32 @!p0 s3, s7;
	s7 =	simm.s32 @!p0 $0x108  }
0x21: {  	s3 =	sadd.s32 s3, s9;
	s6 =	sadd.s32 @!p0 $0x88, s6;
	s7 =	simm.s32 @p2 $0x1082  }
0x22: {  	[simem:s7], [sflag:s8] =	dma.local @!p0 [hbm:s6], $0xF7A  }
0x23: {  	s9 =	sor.u32 $0xD0000000, s2;
	s6 =	simm.s32 $0x108;
	_ =	swait.ge @!p0 [sflag:s8], $0x0  }
0x24: {  	s3 =	sadd.s32 $0x88, s3;
	s6 =	simm.s32 @!p1 $0x1082;
	[sflag:s4] =	ssyncset.s32 $0xFFFFF086  }
0x25: {  	[simem:s6], [sflag:s4] =	dma.local [hbm:s3], $0xF7A  }
0x26: {  	[smem:$0x3F9A] =	sst s1;
	(tag) =	ssettag s2;
	_ =	strace s9  }
0x27: {  	s1 =	sld [smem:$0x3FAA]  }
0x28: {  	s2 =	sld [smem:$0x3FAB]  }
0x29: {  	s4 =	sld [smem:$0x3FAD]  }
0x2a: {  	p0 =	seq.s32 s5, $0x0;
	s5 =	sld [smem:$0x3FAE]  }
0x2b: {  	s6 =	sld [smem:$0x3FAF]  }
0x2c: {  	s7 =	sld [smem:$0x3FB0]  }
0x2d: {  	s3 =	simm.s32 $0x108;
	s8 =	sld [smem:$0x3FB1]  }
0x2e: {  	s3 =	simm.s32 @!p0 $0x1082;
	s9 =	sld [smem:$0x3FB2]  }
0x2f: {  	lr =	sadd.s32 s0, s3;
	s0 =	sld [smem:$0x3FA9]  }
0x30: {  	s3 =	sld [smem:$0x3FAC]  }
0x31: {  	[smem:$0x3FB5] =	sst s10  }
0x32: {  	s10 =	sld [smem:$0x3FB3];
	_ =	sdelay $0x3  }
0x33: {  	p0 =	seq.s32 s10, $0x1;
	s10 =	sld [smem:$0x3FB5];
	_ =	sdelay $0x3  }
0x34: {  	[smem:$0x3FB5] =	sst s10  }
0x35: {  	s10 =	sld [smem:$0x3FB4];
	_ =	sdelay $0x3  }
0x36: {  	p1 =	seq.s32 s10, $0x1;
	s10 =	sld [smem:$0x3FB5];
	_ =	sdelay $0x3  }
0x37: {  	[smem:$0x3FB5] =	sst s10  }
0x38: {  	s10 =	sld [smem:$0x3FB6]  }
0x39: {  	_ = 	snop;
	(pc) =	sbr.ind lr, $3  }
0x3a: {  	_ = 	snop  }
0x3b: {  	_ = 	snop  }
0x3c: {  	p2 =	seq.s32 s10, $0x1;
	s10 =	sld [smem:$0x3FB5]  }
0x3d: {  	_ =	shalt  }
0x3e: {  	_ =	shalt  }
0x3f: {  	_ =	shalt  }
0x40: {  	_ =	shalt  }
0x41: {  	_ =	shalt  }
0x42: {  	_ =	shalt  }
0x43: {  	_ =	shalt  }
0x44: {  	_ =	shalt  }
0x45: {  	_ =	shalt  }
0x46: {  	_ =	shalt  }
0x47: {  	_ =	shalt  }
0x48: {  	_ =	shalt  }
0x49: {  	_ =	shalt  }
0x4a: {  	_ =	shalt  }
0x4b: {  	_ =	shalt  }
0x4c: {  	_ =	shalt  }
0x4d: {  	_ =	shalt  }
0x4e: {  	_ =	shalt  }
0x4f: {  	_ =	shalt  }
0x50: {  	_ =	shalt  }
0x51: {  	_ =	shalt  }
0x52: {  	_ =	shalt  }
0x53: {  	_ =	shalt  }
0x54: {  	_ =	shalt  }
0x55: {  	_ =	shalt  }
0x56: {  	_ =	shalt  }
0x57: {  	_ =	shalt  }
0x58: {  	_ =	shalt  }
0x59: {  	_ =	shalt  }
0x5a: {  	_ =	shalt  }
0x5b: {  	_ =	shalt  }
0x5c: {  	_ =	shalt  }
0x5d: {  	_ =	shalt  }
0x5e: {  	_ =	shalt  }
0x5f: {  	_ =	shalt  }
0x60: {  	_ =	shalt  }
0x61: {  	_ =	shalt  }
0x62: {  	_ =	shalt  }
0x63: {  	_ =	shalt  }
0x64: {  	_ =	shalt  }
0x65: {  	_ =	shalt  }
0x66: {  	_ =	shalt  }
0x67: {  	_ =	shalt  }
0x68: {  	_ =	shalt  }
0x69: {  	_ =	shalt  }
0x6a: {  	_ =	shalt  }
0x6b: {  	_ =	shalt  }
0x6c: {  	_ =	shalt  }
0x6d: {  	_ =	shalt  }
0x6e: {  	_ =	shalt  }
0x6f: {  	_ =	shalt  }
0x70: {  	_ =	shalt  }
0x71: {  	_ =	shalt  }
0x72: {  	_ =	shalt  }
0x73: {  	_ =	shalt  }
0x74: {  	_ =	shalt  }
0x75: {  	_ =	shalt  }
0x76: {  	_ =	shalt  }
0x77: {  	_ =	shalt  }
0x78: {  	_ =	shalt  }
0x79: {  	_ =	shalt  }
0x7a: {  	_ =	shalt  }
0x7b: {  	_ =	shalt  }
0x7c: {  	_ =	shalt  }
0x7d: {  	_ =	shalt  }
0x7e: {  	_ =	shalt  }
0x7f: {  	_ =	shalt  }
0x80: {  	_ =	shalt  }
0x81: {  	_ =	shalt  }
0x82: {  	_ =	shalt  }
0x83: {  	_ =	shalt  }
0x84: {  	_ =	shalt  }
0x85: {  	_ =	shalt  }
0x86: {  	_ =	shalt  }
0x87: {  	_ =	shalt  }
.Lfunc_end0:
.L_simem_size_0:
called_computation_lowered:
.L_overlay_start_0:
0x88: {  	s2 =	sld [smem:$0x3FD9]  }
0x89: {  	s3 =	sld [smem:$0x3FFE];
	_ =	sdelay $0x1  }
0x8a: {  	s1 =	srdreg.scid  }
0x8b: {  	s0 =	sand.u32 $0x1, s1  }
0x8c: {  	s16 =	sshll.u32 s0, $0xA;
	s2 =	sadd.s32 s3, s2  }
0x8d: {  	s2 =	sadd.s32 s2, s16  }
0x8e: {  	[smem:$0x3FC1] =	sst s2  }
0x8f: {  	_ = 	snop  }
0x90: {  	(tm) =	ssettm $0x1  }
0x91: {  	s17 =	sld [smem:$0x3FFB];
	_ =	sdelay $0x3  }
0x92: {  	_ =	strace s17  }
0x93: {  	s2 =	sld [smem:$0x3FFC];
	_ =	sdelay $0x3  }
0x94: {  	_ =	strace s2  }
0x95: {  	s2 =	sld [smem:$0x3FFD];
	_ =	sdelay $0x3  }
0x96: {  	_ =	strace s2  }
0x97: {  	_ =	strace $0x8FFFFFFF  }
0x98: {  	s18 =	sld [smem:$0x3FDB];
	_ =	sdelay $0x1  }
0x99: {  	s19 =	simm.s32 $_scs_section_size  }
0x9a: {  	s4 =	simm.s32 $_size__tile_overlayer_lowered;
	s5 =	simm.s32 $_tile_overlayer_lowered  }
0x9b: {  	s22 =	simm.s32 $0x1BFF;
	s21 =	sshll.u32 s5, $0x1;
	s2 =	sadd.s32 s19, s18  }
0x9c: {  	s6 =	simm.s32 $0x0;
	s20 =	sshll.u32 s4, $0x1;
	s4 =	sadd.s32 s21, s2  }
0x9d: {  	[timem:s6], [sflag:s22] =	dma.local [hbm:s4], s20  }
0x9e: {  	_ =	swait.ge [sflag:s22], s20  }
0x9f: {  	s3 =	ssub.s32 $0x0, s20;
	[sflag:s22] =	ssyncset.done $0x0  }
0xa0: {  	[sflag:s22] =	ssyncadd.s32 s3;
	_ =	sdelay $0x1  }
0xa1: {  	s23 =	simm.s32 $0x1B8B  }
0xa2: {  	_ =	swait.ge [sflag:s23], $0x1  }
0xa3: {  	[sflag:s23] =	ssyncset.done $0x0  }
0xa4: {  	s25 =	simm.s32 $0x1B8E;
	s24 =	sld [smem:$0x3FFE];
	[sflag:s23] =	ssyncadd.s32 $0xFFFFFFFF  }
0xa5: {  	s26 =	simm.s32 $execute0_lowered;
	[smem:$0x3FD2] =	sst s25  }
0xa6: {  	s4 =	sshll.u32 s26, $0x1;
	_ =	strace $0x80000046;
	[dreg:$0x1] =	wrdreg $0xFFFFFFFF  }
0xa7: {  	s28 =	simm.s32 $_size_execute0_lowered;
	s2 =	sadd.s32 s2, s4;
	[dreg:$0x0] =	wrdreg $0x0  }
0xa8: {  	s4 =	sshll.u32 s28, $0x1;
	[dreg:$0x2] =	wrdreg s2  }
0xa9: {  	[dreg:$0x3] =	wrdreg s4  }
0xaa: {  	[dreg:$0x4] =	wrdreg $0xC0  }
0xab: {  	_ =	task [dreg:s6], $0x5FFFF  }
0xac: {  	[dreg:$0x1] =	wrdreg $0xFFFFFFFF  }
0xad: {  	[dreg:$0x0] =	wrdreg $0x60  }
0xae: {  	[dreg:$0x2] =	wrdreg s24  }
0xaf: {  	[dreg:$0x3] =	wrdreg $0x9  }
0xb0: {  	_ =	task.clear_ibuf [dreg:s6], $0x4FFFF;
	_ =	strace $0x90000046  }
0xb1: {  	s29 =	simm.s32 $0x9;
	_ =	strace $0x80000048  }
0xb2: {  	_ =	swait.ge [sflag:s29], $0x1  }
0xb3: {  	[sflag:s29] =	ssyncadd.s32 $0xFFFFFFFF  }
0xb4: {  	_ =	strace $0x90000048  }
0xb5: {  	_ =	sfence  }
0xb6: {  	s30 =	sld [smem:$0x0];
	_ =	sdelay $0x2  }
0xb7: {  	s31 =	sshll.u32 s1, $0xD;
	s1 =	sshrl.u32 s1, $0x2  }
0xb8: {  	s3 =	sand.u32 $0x4000, s31;
	s1 =	sadd.s32 s1, s30  }
0xb9: {  	s0 =	sor.u32 s3, s0;
	s1 =	sshll.u32 s1, $0x11  }
0xba: {  	s0 =	sor.u32 s1, s0  }
0xbb: {  	s0 =	sadd.s32 $0x8F2B, s0  }
0xbc: {  	[sflag:s0] =	ssyncadd.remote.s32 $0x1  }
0xbd: {  	_ =	sfence.sel $0xFFFF  }
0xbe: {  	[dreg:$0x0] =	wrdreg $0xFFFFFFFF;
	(pc) =	sbr.abs _section_cstart, $3  }
0xbf: {  	[dreg:$0x1] =	wrdreg $0xFFFFFFFF  }
0xc0: {  	_ =	task.clear_ibuf [dreg:s6], $0x2FFFF;
	_ =	strace $0x9FFFFFFF  }
0xc1: {  	(tm) =	ssettm $0x7FFFFFFF  }
tec
execute0_lowered:
.L_overlay_start_1:
0x0: {  	(tag) =	ssettag $0x1  }
0x1: {  	s1 =	srdreg.scid;
	s0 =	stileid.u32  }
0x2: {  	s11 =	sand.u32 $0x1, s1;
	s29 =	sshll.u32 s0, $0x1  }
0x3: {  	s10 =	sor.u32 s11, s29  }
0x4: {  	s9 =	rddreg [dreg:$0x0];
	s3 =	smul.u32 $0x30, s10  }
0x5: {  	s2 =	simm.s32 $0x0;
	s1 =	rddreg [dreg:$0x1]  }
0x6: {  	[smem:$0x7FF] =	sst s2;
	s3 =	sadd.s32 s3, s9  }
0x7: {  	_ =	strace $0x80000047;
	s4 =	sadd.s32 $0xC9200, s3;
	s3 =	simm.s32 $0x2  }
0x8: {  	[tilespmem:s2], [sflag:$0x2] =	stream.linear.gather [hbm4b:s4+s2], $0x180, $0x38;
	[tilespmem:$0x4180] =	vst v63  }
0x9: {  	_ =	swait.ge [sflag:s3], $0x180  }
0xa: {  	s6 =	simm.s32 $0x80;
	s7 =	simm.s32 $0x180;
	[sflag:s3] =	ssyncset.done $0x0  }
0xb: {  	s8 =	simm.s32 $0x1;
	s5 =	sadd.s32 $0x1200, s9;
	[sflag:s3] =	ssyncadd.s32 $0xFFFFFE80  }
0xc: {  	[tilespmem:s7], [sflag:$0x1] =	stream.indirect.gather [hbm4b:s5+s6], $0x80, s2, s6, $0xb8;
	[tilespmem:$0x4180] =	vst v63  }
0xd: {  	s12 =	smul.u32 $0x1800, s10;
	_ =	swait.ge [sflag:s8], $0x4000  }
0xe: {  	s13 =	sadd.s32 $0xC9800, s9;
	[sflag:s8] =	ssyncset.done $0x0  }
0xf: {  	s9 =	sadd.s32 s13, s12;
	[sflag:s8] =	ssyncadd.s32 $0xFFFFC000  }
0x10: {  	[hbm4b:s9+s2] =	stream.linear.scatter [tilespmem:s7], [sflag:$0x2], $0x4000, $0x38;
	[tilespmem:$0x4180] =	vst v63  }
0x11: {  	_ =	swait.ge [sflag:s3], $0x4000  }
0x12: {  	[sflag:s3] =	ssyncset.done $0x0  }
0x13: {  	s10 =	smul.u32 $0xC000, s10;
	[sflag:s3] =	ssyncadd.s32 $0xFFFFC000  }
0x14: {  	[tilespmem:s7], [sflag:$0x1] =	stream.indirect.gather [hbm4b:s5+s6], $0x80, s6, s6, $0xb8;
	[tilespmem:$0x4180] =	vst v63  }
0x15: {  	s10 =	sshrl.u32 s10, $0x3;
	_ =	swait.ge [sflag:s8], $0x4000  }
0x16: {  	s30 =	sadd.s32 s13, s10;
	[sflag:s8] =	ssyncset.done $0x0  }
0x17: {  	s31 =	ssub.s32 $0x2, s11;
	s10 =	sadd.s32 $0x800, s30;
	[sflag:s8] =	ssyncadd.s32 $0xFFFFC000  }
0x18: {  	[hbm4b:s10+s2] =	stream.linear.scatter [tilespmem:s7], [sflag:$0x2], $0x4000, $0x38;
	[tilespmem:$0x4180] =	vst v63  }
0x19: {  	s14 =	sshrl.u32 s31, $0x1;
	_ =	swait.ge [sflag:s3], $0x4000  }
0x1a: {  	s13 =	ssub.s32 s31, s14;
	[sflag:s3] =	ssyncset.done $0x0  }
0x1b: {  	s11 =	simm.s32 $0x100;
	s13 =	smax.u32 s13, $0x1;
	[sflag:s3] =	ssyncadd.s32 $0xFFFFC000  }
0x1c: {  	[tilespmem:s7], [sflag:$0x1] =	stream.indirect.gather [hbm4b:s5+s6], $0x80, s11, s6, $0xb8;
	[tilespmem:$0x4180] =	vst v63  }
0x1d: {  	p0 =	sne.s32 s13, $0x1;
	_ =	swait.ge [sflag:s8], $0x4000  }
.Ltmp0:
0x1e: {  	[sflag:s8] =	ssyncset.done $0x0;
	(pc) =	sbr.rel @!p0 .LBB2_2-.Ltmp0, $4  }
0x1f: {  	s12 =	sadd.s32 $0x1000, s30;
	[sflag:s8] =	ssyncadd.s32 $0xFFFFC000  }
0x20: {  	[hbm4b:s12+s2] =	stream.linear.scatter [tilespmem:s7], [sflag:$0x2], $0x4000, $0x38;
	[tilespmem:$0x4180] =	vst v63  }
0x21: {  	_ =	swait.ge [sflag:s3], $0x4000  }
0x22: {  	s13 =	sadd.s32 $0xFFFFFFFF, s13;
	[sflag:s3] =	ssyncset.done $0x0  }
.LBB2_1:
0x23: {  	p0 =	sne.s32 s13, $0x1;
	s13 =	sadd.s32 $0xFFFFFFFF, s13;
	[sflag:s3] =	ssyncadd.s32 $0xFFFFC000  }
0x24: {  	[tilespmem:s2], [sflag:$0x2] =	stream.linear.gather [hbm4b:s4+s2], $0x180, $0x38;
	[tilespmem:$0x4180] =	vst v63  }
0x25: {  	_ =	swait.ge [sflag:s3], $0x180  }
0x26: {  	[sflag:s3] =	ssyncset.done $0x0  }
0x27: {  	[sflag:s3] =	ssyncadd.s32 $0xFFFFFE80  }
0x28: {  	[tilespmem:s7], [sflag:$0x1] =	stream.indirect.gather [hbm4b:s5+s6], $0x80, s2, s6, $0xb8;
	[tilespmem:$0x4180] =	vst v63  }
0x29: {  	_ =	swait.ge [sflag:s8], $0x4000  }
0x2a: {  	[sflag:s8] =	ssyncset.done $0x0  }
0x2b: {  	[sflag:s8] =	ssyncadd.s32 $0xFFFFC000  }
0x2c: {  	[hbm4b:s9+s2] =	stream.linear.scatter [tilespmem:s7], [sflag:$0x2], $0x4000, $0x38;
	[tilespmem:$0x4180] =	vst v63  }
0x2d: {  	_ =	swait.ge [sflag:s3], $0x4000  }
0x2e: {  	[sflag:s3] =	ssyncset.done $0x0  }
0x2f: {  	[sflag:s3] =	ssyncadd.s32 $0xFFFFC000  }
0x30: {  	[tilespmem:s7], [sflag:$0x1] =	stream.indirect.gather [hbm4b:s5+s6], $0x80, s6, s6, $0xb8;
	[tilespmem:$0x4180] =	vst v63  }
0x31: {  	_ =	swait.ge [sflag:s8], $0x4000  }
0x32: {  	[sflag:s8] =	ssyncset.done $0x0  }
0x33: {  	[sflag:s8] =	ssyncadd.s32 $0xFFFFC000  }
0x34: {  	[hbm4b:s10+s2] =	stream.linear.scatter [tilespmem:s7], [sflag:$0x2], $0x4000, $0x38;
	[tilespmem:$0x4180] =	vst v63  }
0x35: {  	_ =	swait.ge [sflag:s3], $0x4000  }
0x36: {  	[sflag:s3] =	ssyncset.done $0x0  }
0x37: {  	[sflag:s3] =	ssyncadd.s32 $0xFFFFC000  }
0x38: {  	[tilespmem:s7], [sflag:$0x1] =	stream.indirect.gather [hbm4b:s5+s6], $0x80, s11, s6, $0xb8;
	[tilespmem:$0x4180] =	vst v63  }
0x39: {  	_ =	swait.ge [sflag:s8], $0x4000  }
.Ltmp1:
0x3a: {  	[sflag:s8] =	ssyncset.done $0x0;
	(pc) =	sbr.rel @p0 .LBB2_1-.Ltmp1, $4  }
0x3b: {  	[sflag:s8] =	ssyncadd.s32 $0xFFFFC000  }
0x3c: {  	[hbm4b:s12+s2] =	stream.linear.scatter [tilespmem:s7], [sflag:$0x2], $0x4000, $0x38;
	[tilespmem:$0x4180] =	vst v63  }
0x3d: {  	_ =	swait.ge [sflag:s3], $0x4000  }
0x3e: {  	[sflag:s3] =	ssyncset.done $0x0  }
.LBB2_2:
0x3f: {  	[sflag:s3] =	ssyncadd.s32 $0xFFFFC000  }
0x40: {  	_ =	sfence.sel $0x180000  }
0x41: {  	[bflag:$0x0] =	sbarrier.arrive $0xFFFF  }
0x42: {  	p0 =	sne.s32 s0, $0x0;
	_ =	strace $0x90000047  }
0x43: {  	s0 =	sadd.s32 @!p0 $0x100000, s1;
	[bflag:$0x2] =	sbarrier.arrive $0xFFFF  }
0x44: {  	[sflag:s0] =	ssyncadd.tile.s32 @!p0 $0x1;
	_ =	shalt  }
.Lfunc_end2:
_tile_overlayer_lowered:
.L_overlay_start_2:
0x45: {  	(tag) =	ssettag $0x2  }
0x46: {  	s0 =	rddreg [dreg:$0x0];
	s2 =	stileid.u32  }
0x47: {  	s1 =	rddreg [dreg:$0x1];
	p0 =	sne.s32 s2, $0x0  }
0x48: {  	s3 =	rddreg [dreg:$0x2];
	[bflag:$0x3] =	sbarrier.arrive $0xFFFF;
	s2 =	simm.s32 @!p0 $0x1C02  }
0x49: {  	[timem:s3], [sflag:s2] =	dma.local @!p0 [hbm:s0], s1  }
0x4a: {  	s0 =	simm.s32 @!p0 $0x2  }
0x4b: {  	_ =	swait.ge @!p0 [sflag:s0], s1  }
0x4c: {  	s1 =	ssub.s32 @!p0 $0x0, s1;
	[sflag:s0] =	ssyncset.done @!p0 $0x0  }
0x4d: {  	[sflag:s0] =	ssyncadd.s32 @!p0 s1  }
0x4e: {  	[bflag:$0x3] =	sbarrier.arrive $0xFFFF  }
0x4f: {  	_ =	shalt  }

</sc_bundles>
